<compile_context>
chip_gen: v7x
topology: tpu7x:2x2x1
jax: 0.10.2.dev20260603
libtpu: 0.0.44.dev20260713+nightly
codegen_flags: <defaults>
</compile_context>

<pallas_src>
import jax
import jax.numpy as jnp
from jax import lax
from jax.experimental import pallas as pl
from jax.experimental.pallas import tpu as pltpu
from jax.experimental.pallas import tpu_sc as plsc

_N_CNSTRS = 3
_IDEAL = 4.0
_L = 16


def _sc_body(coords_hbm, off_hbm, out_hbm, off_v, idx_v, gat_v, out_v, sem):
    pltpu.sync_copy(off_hbm.at[pl.ds(0, 32)], off_v)

    iota = lax.broadcasted_iota(jnp.int32, (_L,), 0)
    off1 = off_v[pl.ds(0, _L)]
    off2 = off_v[pl.ds(1, _L)]
    b1 = (off1 + iota) * 3
    b2 = (off2 + iota + 1) * 3
    idx_v[pl.ds(0, _L)] = b1
    idx_v[pl.ds(_L, _L)] = b1 + 1
    idx_v[pl.ds(2 * _L, _L)] = b1 + 2
    idx_v[pl.ds(3 * _L, _L)] = b2
    idx_v[pl.ds(4 * _L, _L)] = b2 + 1
    idx_v[pl.ds(5 * _L, _L)] = b2 + 2

    pltpu.async_copy(coords_hbm.at[idx_v], gat_v, sem).wait()

    dx = gat_v[pl.ds(0, _L)] - gat_v[pl.ds(3 * _L, _L)]
    dy = gat_v[pl.ds(_L, _L)] - gat_v[pl.ds(4 * _L, _L)]
    dz = gat_v[pl.ds(2 * _L, _L)] - gat_v[pl.ds(5 * _L, _L)]
    d2 = dx * dx + dy * dy + dz * dz

    bits = plsc.bitcast(d2, jnp.int32)
    y = plsc.bitcast(jnp.int32(0x5F3759DF) - (bits >> 1), jnp.float32)
    half_d2 = 0.5 * d2
    for _unused in range(3):
        y = y * (1.5 - half_d2 * y * y)
    dist = d2 * y

    h = dist - _IDEAL
    h = h * h
    h = jnp.where(iota < _N_CNSTRS, h, 0.0)
    total = jnp.sum(h)

    out_v[...] = lax.broadcast(total, (_L,))
    pltpu.sync_copy(out_v, out_hbm)


def kernel(coords, pose_stack_block_coord_offset):
    n_atoms = coords.shape[1]
    n_blocks = pose_stack_block_coord_offset.shape[1]
    c = coords.reshape(n_atoms * 3)
    off = pose_stack_block_coord_offset.reshape(n_blocks)

    mesh = plsc.VectorSubcoreMesh(
        core_axis_name="c", subcore_axis_name="s", num_cores=1, num_subcores=1
    )
    res = pl.kernel(
        _sc_body,
        out_type=jax.ShapeDtypeStruct((_L,), jnp.float32),
        mesh=mesh,
        compiler_params=pltpu.CompilerParams(needs_layout_passes=False),
        scratch_types=[
            pltpu.VMEM((32,), jnp.int32),
            pltpu.VMEM((6 * _L,), jnp.int32),
            pltpu.VMEM((6 * _L,), jnp.float32),
            pltpu.VMEM((_L,), jnp.float32),
            pltpu.SemaphoreType.DMA,
        ],
    )(c, off)
    return res[:1].reshape(1, 1)

# --- scband reference (transcript-rebuilt; emitter-appended) ---
"""Pipeline reference for scband-constraint-whole-pose-scoring-module-55121610277426 (READ-ONLY COPY).

The authoritative reference and input builder live on the scoring server;
editing this copy changes nothing except your own understanding.
"""

import jax, jax.numpy as jnp
import numpy as np

N_POSES = 1
N_BLOCKS = 128
ATOMS_PER_BLOCK = 16
N_ATOMS = N_BLOCKS * ATOMS_PER_BLOCK  # 2048


def setup_inputs(seed: int = 0) -> dict:
    key = jax.random.key(seed)
    coords = jax.random.normal(key, (N_POSES, N_ATOMS, 3), dtype=jnp.float32)
    pose_stack_block_coord_offset = (jnp.arange(N_BLOCKS, dtype=jnp.int32) * ATOMS_PER_BLOCK)[None, :]
    return {
        "coords": coords,
        "pose_stack_block_coord_offset": pose_stack_block_coord_offset,
    }


def reference(coords, pose_stack_block_coord_offset):
    # Faithful translation of ConstraintWholePoseScoringModule.forward
    n_cnstrs = 3
    i = jnp.arange(n_cnstrs, dtype=jnp.int32)
    # cnstrs[i,0,:] = (i, i); cnstrs[i,1,:] = (i+1, i+1)
    atom1_residue_indices = i
    atom1_atom_indices = i
    atom2_residue_indices = i + 1
    atom2_atom_indices = i + 1

    off = pose_stack_block_coord_offset[0]  # [n_blocks]
    atom1_global = jnp.take(off, atom1_residue_indices, axis=0) + atom1_atom_indices
    atom2_global = jnp.take(off, atom2_residue_indices, axis=0) + atom2_atom_indices

    ideal = 4.0
    c = coords[0]  # [n_atoms, 3]
    diff = jnp.take(c, atom1_global, axis=0) - jnp.take(c, atom2_global, axis=0)
    dist = jnp.sqrt(jnp.sum(diff ** 2, axis=1))
    harm = (dist - ideal) ** 2
    ret = jnp.sum(harm, axis=0)[None, None]  # shape [1, 1]
    return ret

if __name__ == "__main__":
    import jax
    _d = setup_inputs()
    print(jax.jit(kernel)(*tuple(_d.values())))

</pallas_src>

<mosaic_0001>
#map = affine_map<(d0, d1) -> (0)>
module attributes {stable_mosaic.version = 14 : i64} {
  func.func @_sc_body(%arg0: i32, %arg1: i32, %arg2: memref<6144xf32, #tpu.memory_space<hbm>>, %arg3: memref<128xi32, #tpu.memory_space<hbm>>, %arg4: memref<16xf32, #tpu.memory_space<hbm>>, %arg5: memref<32xi32, #tpu.memory_space<vmem>>, %arg6: memref<96xi32, #tpu.memory_space<vmem>>, %arg7: memref<96xf32, #tpu.memory_space<vmem>>, %arg8: memref<16xf32, #tpu.memory_space<vmem>>, %arg9: memref<!tpu.dma_semaphore, #tpu.memory_space<semaphore_mem>>) attributes {dimension_semantics = [#tpu.dimension_semantics<core_parallel>, #tpu.dimension_semantics<subcore_parallel>], iteration_bounds = array<i64: 1, 1>, scalar_prefetch = 0 : i64, scratch_operands = 5 : i64, tpu.core_type = #tpu.core_type<sc_vector_subcore>, window_params = [{transform_indices = #map}, {transform_indices = #map}, {transform_indices = #map}]} {
    "tpu.region"() ({
      %run_scoped3A = tpu.sem_alloc : memref<!tpu.dma_semaphore, #tpu.memory_space<semaphore_mem>>
      %dma_start3A_96 = arith.constant 0 : i32
      %dma_start3A_97 = tpu.memref_slice %arg3[%dma_start3A_96] : memref<128xi32, #tpu.memory_space<hbm>> -> memref<32xi32, #tpu.memory_space<hbm>>
      %dma_start3A_98 = arith.constant 0 : i32
      %dma_start3A_99 = tpu.memref_slice %arg3[%dma_start3A_98] : memref<128xi32, #tpu.memory_space<hbm>> -> memref<32xi32, #tpu.memory_space<hbm>>
      tpu.enqueue_dma source(%dma_start3A_99 : memref<32xi32, #tpu.memory_space<hbm>>) target(%arg5 : memref<32xi32, #tpu.memory_space<vmem>>) target_semaphore(%run_scoped3A : memref<!tpu.dma_semaphore, #tpu.memory_space<semaphore_mem>>)
      %dma_wait3A_100 = arith.constant 0 : i32
      %dma_wait3A_101 = tpu.memref_slice %arg3[%dma_wait3A_100] : memref<128xi32, #tpu.memory_space<hbm>> -> memref<32xi32, #tpu.memory_space<hbm>>
      %dma_wait3A_102 = arith.constant 0 : i32
      %dma_wait3A_103 = tpu.memref_slice %arg3[%dma_wait3A_102] : memref<128xi32, #tpu.memory_space<hbm>> -> memref<32xi32, #tpu.memory_space<hbm>>
      tpu.wait_dma2 semaphore(%run_scoped3A : memref<!tpu.dma_semaphore, #tpu.memory_space<semaphore_mem>>) src(%dma_wait3A_103 : memref<32xi32, #tpu.memory_space<hbm>>) dst(%arg5 : memref<32xi32, #tpu.memory_space<vmem>>)
      tpu.yield
    }) : () -> ()
    %iota3A = tpu.iota {dimensions = array<i32: 0>} : vector<16xi32>
    %get3A = arith.constant 0 : index
    %get3A_0 = tpu.vector_load %arg5[%get3A] {strides = array<i32>} : memref<32xi32, #tpu.memory_space<vmem>>, vector<16xi32>,
    %get3A_1 = arith.constant 1 : index
    %get3A_2 = tpu.vector_load %arg5[%get3A_1] {strides = array<i32>} : memref<32xi32, #tpu.memory_space<vmem>>, vector<16xi32>,
    %add3A = arith.addi %get3A_0, %iota3A : vector<16xi32>
    %mul3A = arith.constant 3 : i32
    %mul3A_3 = vector.broadcast %mul3A : i32 to vector<16xi32>
    %mul3A_4 = arith.muli %add3A, %mul3A_3 : vector<16xi32>
    %add3A_5 = arith.addi %get3A_2, %iota3A : vector<16xi32>
    %add3A_6 = arith.constant 1 : i32
    %add3A_7 = vector.broadcast %add3A_6 : i32 to vector<16xi32>
    %add3A_8 = arith.addi %add3A_5, %add3A_7 : vector<16xi32>
    %mul3A_9 = arith.constant 3 : i32
    %mul3A_10 = vector.broadcast %mul3A_9 : i32 to vector<16xi32>
    %mul3A_11 = arith.muli %add3A_8, %mul3A_10 : vector<16xi32>
    %swap3A = arith.constant 0 : index
    %swap3A_12 = tpu.vector_load %arg6[%swap3A] {strides = array<i32>} : memref<96xi32, #tpu.memory_space<vmem>>, vector<16xi32>,
    tpu.vector_store %arg6[%swap3A], %mul3A_4 {strides = array<i32>} : memref<96xi32, #tpu.memory_space<vmem>>, vector<16xi32>,
    %add3A_13 = arith.constant 1 : i32
    %add3A_14 = vector.broadcast %add3A_13 : i32 to vector<16xi32>
    %add3A_15 = arith.addi %mul3A_4, %add3A_14 : vector<16xi32>
    %swap3A_16 = arith.constant 16 : index
    %swap3A_17 = tpu.vector_load %arg6[%swap3A_16] {strides = array<i32>} : memref<96xi32, #tpu.memory_space<vmem>>, vector<16xi32>,
    tpu.vector_store %arg6[%swap3A_16], %add3A_15 {strides = array<i32>} : memref<96xi32, #tpu.memory_space<vmem>>, vector<16xi32>,
    %add3A_18 = arith.constant 2 : i32
    %add3A_19 = vector.broadcast %add3A_18 : i32 to vector<16xi32>
    %add3A_20 = arith.addi %mul3A_4, %add3A_19 : vector<16xi32>
    %swap3A_21 = arith.constant 32 : index
    %swap3A_22 = tpu.vector_load %arg6[%swap3A_21] {strides = array<i32>} : memref<96xi32, #tpu.memory_space<vmem>>, vector<16xi32>,
    tpu.vector_store %arg6[%swap3A_21], %add3A_20 {strides = array<i32>} : memref<96xi32, #tpu.memory_space<vmem>>, vector<16xi32>,
    %swap3A_23 = arith.constant 48 : index
    %swap3A_24 = tpu.vector_load %arg6[%swap3A_23] {strides = array<i32>} : memref<96xi32, #tpu.memory_space<vmem>>, vector<16xi32>,
    tpu.vector_store %arg6[%swap3A_23], %mul3A_11 {strides = array<i32>} : memref<96xi32, #tpu.memory_space<vmem>>, vector<16xi32>,
    %add3A_25 = arith.constant 1 : i32
    %add3A_26 = vector.broadcast %add3A_25 : i32 to vector<16xi32>
    %add3A_27 = arith.addi %mul3A_11, %add3A_26 : vector<16xi32>
    %swap3A_28 = arith.constant 64 : index
    %swap3A_29 = tpu.vector_load %arg6[%swap3A_28] {strides = array<i32>} : memref<96xi32, #tpu.memory_space<vmem>>, vector<16xi32>,
    tpu.vector_store %arg6[%swap3A_28], %add3A_27 {strides = array<i32>} : memref<96xi32, #tpu.memory_space<vmem>>, vector<16xi32>,
    %add3A_30 = arith.constant 2 : i32
    %add3A_31 = vector.broadcast %add3A_30 : i32 to vector<16xi32>
    %add3A_32 = arith.addi %mul3A_11, %add3A_31 : vector<16xi32>
    %swap3A_33 = arith.constant 80 : index
    %swap3A_34 = tpu.vector_load %arg6[%swap3A_33] {strides = array<i32>} : memref<96xi32, #tpu.memory_space<vmem>>, vector<16xi32>,
    tpu.vector_store %arg6[%swap3A_33], %add3A_32 {strides = array<i32>} : memref<96xi32, #tpu.memory_space<vmem>>, vector<16xi32>,
    %dma_start3A = arith.constant 0 : i32
    %dma_start3A_35 = tpu.memref_slice %arg2[%dma_start3A] : memref<6144xf32, #tpu.memory_space<hbm>> -> memref<6144xf32, #tpu.memory_space<hbm>>
    tpu.enqueue_indirect_dma source(%dma_start3A_35 : memref<6144xf32, #tpu.memory_space<hbm>>) target(%arg7 : memref<96xf32, #tpu.memory_space<vmem>>) offsets(%arg6 : memref<96xi32, #tpu.memory_space<vmem>>) semaphore(%arg9 : memref<!tpu.dma_semaphore, #tpu.memory_space<semaphore_mem>>)
    %dma_wait3A = arith.constant 0 : i32
    %dma_wait3A_36 = tpu.memref_slice %arg2[%dma_wait3A] : memref<6144xf32, #tpu.memory_space<hbm>> -> memref<6144xf32, #tpu.memory_space<hbm>>
    tpu.wait_indirect_dma semaphore(%arg9 : memref<!tpu.dma_semaphore, #tpu.memory_space<semaphore_mem>>) src(%dma_wait3A_36 : memref<6144xf32, #tpu.memory_space<hbm>>) dst(%arg7 : memref<96xf32, #tpu.memory_space<vmem>>)
    %get3A_37 = arith.constant 0 : index
    %get3A_38 = tpu.vector_load %arg7[%get3A_37] {strides = array<i32>} : memref<96xf32, #tpu.memory_space<vmem>>, vector<16xf32>,
    %get3A_39 = arith.constant 48 : index
    %get3A_40 = tpu.vector_load %arg7[%get3A_39] {strides = array<i32>} : memref<96xf32, #tpu.memory_space<vmem>>, vector<16xf32>,
    %sub3A = arith.subf %get3A_38, %get3A_40 : vector<16xf32>
    %get3A_41 = arith.constant 16 : index
    %get3A_42 = tpu.vector_load %arg7[%get3A_41] {strides = array<i32>} : memref<96xf32, #tpu.memory_space<vmem>>, vector<16xf32>,
    %get3A_43 = arith.constant 64 : index
    %get3A_44 = tpu.vector_load %arg7[%get3A_43] {strides = array<i32>} : memref<96xf32, #tpu.memory_space<vmem>>, vector<16xf32>,
    %sub3A_45 = arith.subf %get3A_42, %get3A_44 : vector<16xf32>
    %get3A_46 = arith.constant 32 : index
    %get3A_47 = tpu.vector_load %arg7[%get3A_46] {strides = array<i32>} : memref<96xf32, #tpu.memory_space<vmem>>, vector<16xf32>,
    %get3A_48 = arith.constant 80 : index
    %get3A_49 = tpu.vector_load %arg7[%get3A_48] {strides = array<i32>} : memref<96xf32, #tpu.memory_space<vmem>>, vector<16xf32>,
    %sub3A_50 = arith.subf %get3A_47, %get3A_49 : vector<16xf32>
    %mul3A_51 = arith.mulf %sub3A, %sub3A : vector<16xf32>
    %mul3A_52 = arith.mulf %sub3A_45, %sub3A_45 : vector<16xf32>
    %add3A_53 = arith.addf %mul3A_51, %mul3A_52 : vector<16xf32>
    %mul3A_54 = arith.mulf %sub3A_50, %sub3A_50 : vector<16xf32>
    %add3A_55 = arith.addf %add3A_53, %mul3A_54 : vector<16xf32>
    %bitcast3A = vector.bitcast %add3A_55 : vector<16xf32> to vector<16xi32>
    %shift_right_arithmetic3A = arith.constant 1 : i32
    %shift_right_arithmetic3A_56 = vector.broadcast %shift_right_arithmetic3A : i32 to vector<16xi32>
    %shift_right_arithmetic3A_57 = arith.shrsi %bitcast3A, %shift_right_arithmetic3A_56 : vector<16xi32>
    %sub3A_58 = arith.constant 1597463007 : i32
    %sub3A_59 = vector.broadcast %sub3A_58 : i32 to vector<16xi32>
    %sub3A_60 = arith.subi %sub3A_59, %shift_right_arithmetic3A_57 : vector<16xi32>
    %bitcast3A_61 = vector.bitcast %sub3A_60 : vector<16xi32> to vector<16xf32>
    %mul3A_62 = arith.constant 5.000000e-01 : f32
    %mul3A_63 = vector.broadcast %mul3A_62 : f32 to vector<16xf32>
    %mul3A_64 = arith.mulf %mul3A_63, %add3A_55 : vector<16xf32>
    %mul3A_65 = arith.mulf %mul3A_64, %bitcast3A_61 : vector<16xf32>
    %mul3A_66 = arith.mulf %mul3A_65, %bitcast3A_61 : vector<16xf32>
    %sub3A_67 = arith.constant 1.500000e+00 : f32
    %sub3A_68 = vector.broadcast %sub3A_67 : f32 to vector<16xf32>
    %sub3A_69 = arith.subf %sub3A_68, %mul3A_66 : vector<16xf32>
    %mul3A_70 = arith.mulf %bitcast3A_61, %sub3A_69 : vector<16xf32>
    %mul3A_71 = arith.mulf %mul3A_64, %mul3A_70 : vector<16xf32>
    %mul3A_72 = arith.mulf %mul3A_71, %mul3A_70 : vector<16xf32>
    %sub3A_73 = arith.constant 1.500000e+00 : f32
    %sub3A_74 = vector.broadcast %sub3A_73 : f32 to vector<16xf32>
    %sub3A_75 = arith.subf %sub3A_74, %mul3A_72 : vector<16xf32>
    %mul3A_76 = arith.mulf %mul3A_70, %sub3A_75 : vector<16xf32>
    %mul3A_77 = arith.mulf %mul3A_64, %mul3A_76 : vector<16xf32>
    %mul3A_78 = arith.mulf %mul3A_77, %mul3A_76 : vector<16xf32>
    %sub3A_79 = arith.constant 1.500000e+00 : f32
    %sub3A_80 = vector.broadcast %sub3A_79 : f32 to vector<16xf32>
    %sub3A_81 = arith.subf %sub3A_80, %mul3A_78 : vector<16xf32>
    %mul3A_82 = arith.mulf %mul3A_76, %sub3A_81 : vector<16xf32>
    %mul3A_83 = arith.mulf %add3A_55, %mul3A_82 : vector<16xf32>
    %sub3A_84 = arith.constant 4.000000e+00 : f32
    %sub3A_85 = vector.broadcast %sub3A_84 : f32 to vector<16xf32>
    %sub3A_86 = arith.subf %mul3A_83, %sub3A_85 : vector<16xf32>
    %mul3A_87 = arith.mulf %sub3A_86, %sub3A_86 : vector<16xf32>
    %lt3A = arith.constant 3 : i32
    %lt3A_88 = vector.broadcast %lt3A : i32 to vector<16xi32>
    %lt3A_89 = arith.cmpi slt, %iota3A, %lt3A_88 : vector<16xi32>
    %jit3A = arith.constant 0.000000e+00 : f32
    %broadcast_in_dim3A = vector.broadcast %jit3A : f32 to vector<16xf32>
    %select_n3A = arith.select %lt3A_89, %mul3A_87, %broadcast_in_dim3A : vector<16xi1>, vector<16xf32>
    %reduce_sum3A = arith.constant true
    %reduce_sum3A_90 = vector.broadcast %reduce_sum3A : i1 to vector<16xi1>
    %reduce_sum3A_91 = tpu.scan <sum>, %select_n3A masked %reduce_sum3A_90 : vector<16xf32>, vector<16xi1> -> vector<16xf32>
    %reduce_sum3A_92 = vector.extract %reduce_sum3A_91[15] : f32 from vector<16xf32>
    %broadcast_in_dim3A_93 = vector.broadcast %reduce_sum3A_92 : f32 to vector<16xf32>
    %swap3A_94 = arith.constant 0 : index
    %swap3A_95 = tpu.vector_load %arg8[%swap3A_94] {strides = array<i32>} : memref<16xf32, #tpu.memory_space<vmem>>, vector<16xf32>,
    tpu.vector_store %arg8[%swap3A_94], %broadcast_in_dim3A_93 {strides = array<i32>} : memref<16xf32, #tpu.memory_space<vmem>>, vector<16xf32>,
    "tpu.region"() ({
      %run_scoped3A = tpu.sem_alloc : memref<!tpu.dma_semaphore, #tpu.memory_space<semaphore_mem>>
      tpu.enqueue_dma source(%arg8 : memref<16xf32, #tpu.memory_space<vmem>>) target(%arg4 : memref<16xf32, #tpu.memory_space<hbm>>) target_semaphore(%run_scoped3A : memref<!tpu.dma_semaphore, #tpu.memory_space<semaphore_mem>>)
      tpu.wait_dma2 semaphore(%run_scoped3A : memref<!tpu.dma_semaphore, #tpu.memory_space<semaphore_mem>>) src(%arg8 : memref<16xf32, #tpu.memory_space<vmem>>) dst(%arg4 : memref<16xf32, #tpu.memory_space<hbm>>)
      tpu.yield
    }) : () -> ()
    return
  }
}

</mosaic_0001>

<sc_bundles>
// kernel: kernel.3.cloned.1.call-start
scs
__scs_entry_jumppad:
0x0: {  	(pc) =	sbr.rel $0x88, $3  }
0x1: {  	(tag) =	ssettag $0x0;
	lr =	simm.s32 $0x1  }
0x2: {  	[smem:$0x3F9F] =	sst lr;
	_ =	strace $0xD0000000  }
0x3: {  	_ = 	snop  }
0x4: {  	_ = 	snop  }
0x5: {  	_ = 	snop  }
0x6: {  	_ = 	snop  }
0x7: {  	_ = 	snop  }
__scs_overlays_trampoline_lowered:
0x8: {  	[smem:$0x3FAE] =	sst s0  }
0x9: {  	[smem:$0x3FAF] =	sst s1  }
0xa: {  	[smem:$0x3FB0] =	sst s2  }
0xb: {  	[smem:$0x3FB1] =	sst s3  }
0xc: {  	[smem:$0x3FB2] =	sst s4  }
0xd: {  	[smem:$0x3FB3] =	sst s5  }
0xe: {  	[smem:$0x3FB4] =	sst s6  }
0xf: {  	[smem:$0x3FB5] =	sst s7  }
0x10: {  	[smem:$0x3FB6] =	sst s8  }
0x11: {  	[smem:$0x3FB7] =	sst s9;
	s0 =	simm.s32 @!p0 $0x0  }
0x12: {  	s1 =	sld [smem:$0x3F9D];
	s0 =	simm.s32 @p0 $0x1  }
0x13: {  	[smem:$0x3FB8] =	sst s0;
	s0 =	simm.s32 @!p1 $0x0  }
0x14: {  	s2 =	sld [smem:$0x3F9C];
	s0 =	simm.s32 @p1 $0x1  }
0x15: {  	[smem:$0x3FB9] =	sst s0;
	s0 =	simm.s32 @!p2 $0x0  }
0x16: {  	s3 =	sld [smem:$0x3FDB];
	s0 =	simm.s32 @p2 $0x1  }
0x17: {  	s4 =	simm.s32 $0x1BF5;
	[smem:$0x3FBB] =	sst s0  }
0x18: {  	s0 =	sld [smem:$0x3F9E];
	_ =	swait.ge [sflag:s4], $0x0  }
0x19: {  	s7 =	sld [smem:$0x3F9F]  }
0x1a: {  	s8 =	sadd.s32 $0xFFFFE003, lr  }
0x1b: {  	s9 =	sadd.s32 $0xFFFFFEF7, lr;
	s5 =	simm.s32 $0xFFFFFFFF;
	p2 =	slt.u32 s8, $0xFFFFF086  }
0x1c: {  	p1 =	slt.u32 s9, $0xF7A;
	s5 =	simm.s32 @!p2 $0x0  }
0x1d: {  	s5 =	simm.s32 @p1 $0x1;
	p0 =	seq.s32 s7, s2  }
0x1e: {  	s7 =	smul.u32 @!p0 $0xF7A, s2;
	p2 =	seq.s32 @!p0 s5, $0x0  }
0x1f: {  	s9 =	smul.u32 $0xF7A, s1;
	s8 =	simm.s32 @!p0 $0x1BF5;
	p2 =	por !p2, p0  }
0x20: {  	[sflag:s8] =	ssyncset.s32 @!p0 $0xFFFFF086;
	s6 =	sadd.s32 @!p0 s3, s7;
	s7 =	simm.s32 @!p0 $0x108  }
0x21: {  	s3 =	sadd.s32 s3, s9;
	s6 =	sadd.s32 @!p0 $0x88, s6;
	s7 =	simm.s32 @p2 $0x1082  }
0x22: {  	[simem:s7], [sflag:s8] =	dma.local @!p0 [hbm:s6], $0xF7A  }
0x23: {  	s9 =	sor.u32 $0xD0000000, s2;
	s6 =	simm.s32 $0x108;
	_ =	swait.ge @!p0 [sflag:s8], $0x0  }
0x24: {  	s3 =	sadd.s32 $0x88, s3;
	s6 =	simm.s32 @!p1 $0x1082;
	[sflag:s4] =	ssyncset.s32 $0xFFFFF086  }
0x25: {  	[simem:s6], [sflag:s4] =	dma.local [hbm:s3], $0xF7A  }
0x26: {  	[smem:$0x3F9F] =	sst s1;
	(tag) =	ssettag s2;
	_ =	strace s9  }
0x27: {  	s1 =	sld [smem:$0x3FAF]  }
0x28: {  	s2 =	sld [smem:$0x3FB0]  }
0x29: {  	s4 =	sld [smem:$0x3FB2]  }
0x2a: {  	p0 =	seq.s32 s5, $0x0;
	s5 =	sld [smem:$0x3FB3]  }
0x2b: {  	s6 =	sld [smem:$0x3FB4]  }
0x2c: {  	s7 =	sld [smem:$0x3FB5]  }
0x2d: {  	s3 =	simm.s32 $0x108;
	s8 =	sld [smem:$0x3FB6]  }
0x2e: {  	s3 =	simm.s32 @!p0 $0x1082;
	s9 =	sld [smem:$0x3FB7]  }
0x2f: {  	lr =	sadd.s32 s0, s3;
	s0 =	sld [smem:$0x3FAE]  }
0x30: {  	s3 =	sld [smem:$0x3FB1]  }
0x31: {  	[smem:$0x3FBA] =	sst s10  }
0x32: {  	s10 =	sld [smem:$0x3FB8];
	_ =	sdelay $0x3  }
0x33: {  	p0 =	seq.s32 s10, $0x1;
	s10 =	sld [smem:$0x3FBA];
	_ =	sdelay $0x3  }
0x34: {  	[smem:$0x3FBA] =	sst s10  }
0x35: {  	s10 =	sld [smem:$0x3FB9];
	_ =	sdelay $0x3  }
0x36: {  	p1 =	seq.s32 s10, $0x1;
	s10 =	sld [smem:$0x3FBA];
	_ =	sdelay $0x3  }
0x37: {  	[smem:$0x3FBA] =	sst s10  }
0x38: {  	s10 =	sld [smem:$0x3FBB]  }
0x39: {  	_ = 	snop;
	(pc) =	sbr.ind lr, $3  }
0x3a: {  	_ = 	snop  }
0x3b: {  	_ = 	snop  }
0x3c: {  	p2 =	seq.s32 s10, $0x1;
	s10 =	sld [smem:$0x3FBA]  }
0x3d: {  	_ =	shalt  }
0x3e: {  	_ =	shalt  }
0x3f: {  	_ =	shalt  }
0x40: {  	_ =	shalt  }
0x41: {  	_ =	shalt  }
0x42: {  	_ =	shalt  }
0x43: {  	_ =	shalt  }
0x44: {  	_ =	shalt  }
0x45: {  	_ =	shalt  }
0x46: {  	_ =	shalt  }
0x47: {  	_ =	shalt  }
0x48: {  	_ =	shalt  }
0x49: {  	_ =	shalt  }
0x4a: {  	_ =	shalt  }
0x4b: {  	_ =	shalt  }
0x4c: {  	_ =	shalt  }
0x4d: {  	_ =	shalt  }
0x4e: {  	_ =	shalt  }
0x4f: {  	_ =	shalt  }
0x50: {  	_ =	shalt  }
0x51: {  	_ =	shalt  }
0x52: {  	_ =	shalt  }
0x53: {  	_ =	shalt  }
0x54: {  	_ =	shalt  }
0x55: {  	_ =	shalt  }
0x56: {  	_ =	shalt  }
0x57: {  	_ =	shalt  }
0x58: {  	_ =	shalt  }
0x59: {  	_ =	shalt  }
0x5a: {  	_ =	shalt  }
0x5b: {  	_ =	shalt  }
0x5c: {  	_ =	shalt  }
0x5d: {  	_ =	shalt  }
0x5e: {  	_ =	shalt  }
0x5f: {  	_ =	shalt  }
0x60: {  	_ =	shalt  }
0x61: {  	_ =	shalt  }
0x62: {  	_ =	shalt  }
0x63: {  	_ =	shalt  }
0x64: {  	_ =	shalt  }
0x65: {  	_ =	shalt  }
0x66: {  	_ =	shalt  }
0x67: {  	_ =	shalt  }
0x68: {  	_ =	shalt  }
0x69: {  	_ =	shalt  }
0x6a: {  	_ =	shalt  }
0x6b: {  	_ =	shalt  }
0x6c: {  	_ =	shalt  }
0x6d: {  	_ =	shalt  }
0x6e: {  	_ =	shalt  }
0x6f: {  	_ =	shalt  }
0x70: {  	_ =	shalt  }
0x71: {  	_ =	shalt  }
0x72: {  	_ =	shalt  }
0x73: {  	_ =	shalt  }
0x74: {  	_ =	shalt  }
0x75: {  	_ =	shalt  }
0x76: {  	_ =	shalt  }
0x77: {  	_ =	shalt  }
0x78: {  	_ =	shalt  }
0x79: {  	_ =	shalt  }
0x7a: {  	_ =	shalt  }
0x7b: {  	_ =	shalt  }
0x7c: {  	_ =	shalt  }
0x7d: {  	_ =	shalt  }
0x7e: {  	_ =	shalt  }
0x7f: {  	_ =	shalt  }
0x80: {  	_ =	shalt  }
0x81: {  	_ =	shalt  }
0x82: {  	_ =	shalt  }
0x83: {  	_ =	shalt  }
0x84: {  	_ =	shalt  }
0x85: {  	_ =	shalt  }
0x86: {  	_ =	shalt  }
0x87: {  	_ =	shalt  }
.Lfunc_end0:
.L_simem_size_0:
called_computation_lowered:
.L_overlay_start_0:
0x88: {  	s0 =	sld [smem:$0x3FD9]  }
0x89: {  	s1 =	sld [smem:$0x3FFE];
	_ =	sdelay $0x3  }
0x8a: {  	s0 =	sadd.s32 s1, s0  }
0x8b: {  	[smem:$0x3FC6] =	sst s0  }
0x8c: {  	_ = 	snop  }
0x8d: {  	s0 =	sld [smem:$0x3FC8]  }
0x8e: {  	s16 =	sld [smem:$0x3FD0];
	(tm) =	ssettm $0x1  }
0x8f: {  	s2 =	sld [smem:$0x3FFB];
	_ =	sdelay $0x3  }
0x90: {  	_ =	strace s2  }
0x91: {  	s2 =	sld [smem:$0x3FFC];
	_ =	sdelay $0x3  }
0x92: {  	_ =	strace s2  }
0x93: {  	s2 =	sld [smem:$0x3FFD];
	_ =	sdelay $0x3  }
0x94: {  	_ =	strace s2  }
0x95: {  	_ =	strace $0x8FFFFFFF  }
0x96: {  	s17 =	sld [smem:$0x3FDB];
	_ =	sdelay $0x1  }
0x97: {  	s3 =	simm.s32 $_scs_section_size  }
0x98: {  	s4 =	simm.s32 $_size__tile_overlayer_lowered;
	s5 =	simm.s32 $_tile_overlayer_lowered  }
0x99: {  	s20 =	simm.s32 $0x1BFF;
	s19 =	sshll.u32 s5, $0x1;
	s2 =	sadd.s32 s3, s17  }
0x9a: {  	s6 =	simm.s32 $0x0;
	s18 =	sshll.u32 s4, $0x1;
	s4 =	sadd.s32 s19, s2  }
0x9b: {  	[timem:s6], [sflag:s20] =	dma.local [hbm:s4], s18  }
0x9c: {  	_ =	swait.ge [sflag:s20], s18  }
0x9d: {  	s3 =	ssub.s32 $0x0, s18;
	[sflag:s20] =	ssyncset.done $0x0  }
0x9e: {  	[sflag:s20] =	ssyncadd.s32 s3;
	_ =	sdelay $0x1  }
0x9f: {  	s21 =	simm.s32 $0x1B8B  }
0xa0: {  	_ =	swait.ge [sflag:s21], $0x1  }
0xa1: {  	[sflag:s21] =	ssyncset.done $0x0  }
0xa2: {  	s23 =	simm.s32 $0x1B8E;
	s22 =	sld [smem:$0x3FFE];
	[sflag:s21] =	ssyncadd.s32 $0xFFFFFFFF  }
0xa3: {  	s24 =	simm.s32 $execute0_lowered;
	[smem:$0x3FD2] =	sst s23  }
0xa4: {  	s4 =	sshll.u32 s24, $0x1;
	_ =	strace $0x80000046;
	[dreg:$0x1] =	wrdreg $0xFFFFFFFF  }
0xa5: {  	s25 =	simm.s32 $_size_execute0_lowered;
	s2 =	sadd.s32 s2, s4;
	[dreg:$0x0] =	wrdreg $0x0  }
0xa6: {  	s4 =	sshll.u32 s25, $0x1;
	[dreg:$0x2] =	wrdreg s2  }
0xa7: {  	[dreg:$0x3] =	wrdreg s4  }
0xa8: {  	[dreg:$0x4] =	wrdreg $0xC0  }
0xa9: {  	_ =	task [dreg:s6], $0x5FFFF  }
0xaa: {  	[dreg:$0x1] =	wrdreg $0xFFFFFFFF  }
0xab: {  	[dreg:$0x0] =	wrdreg $0x60  }
0xac: {  	[dreg:$0x2] =	wrdreg s22  }
0xad: {  	[dreg:$0x3] =	wrdreg s0  }
0xae: {  	[dreg:$0x4] =	wrdreg s16  }
0xaf: {  	[dreg:$0x5] =	wrdreg $0x9  }
0xb0: {  	_ =	task.clear_ibuf [dreg:s6], $0x6FFFF;
	_ =	strace $0x90000046  }
0xb1: {  	s26 =	simm.s32 $0x9;
	_ =	strace $0x80000048  }
0xb2: {  	_ =	swait.ge [sflag:s26], $0x1  }
0xb3: {  	[sflag:s26] =	ssyncadd.s32 $0xFFFFFFFF  }
0xb4: {  	_ =	strace $0x90000048  }
0xb5: {  	_ =	sfence  }
0xb6: {  	s28 =	sld [smem:$0x0];
	_ =	sdelay $0x1  }
0xb7: {  	s29 =	srdreg.scid  }
0xb8: {  	s30 =	sshll.u32 s29, $0xD;
	s31 =	sshrl.u32 s29, $0x2  }
0xb9: {  	s1 =	sand.u32 $0x1, s29;
	s2 =	sand.u32 $0x4000, s30;
	s0 =	sadd.s32 s31, s28  }
0xba: {  	s1 =	sor.u32 s2, s1;
	s0 =	sshll.u32 s0, $0x11  }
0xbb: {  	s0 =	sor.u32 s0, s1  }
0xbc: {  	s0 =	sadd.s32 $0x8F2B, s0  }
0xbd: {  	[sflag:s0] =	ssyncadd.remote.s32 $0x1  }
0xbe: {  	_ =	sfence.sel $0xFFFF  }
0xbf: {  	[dreg:$0x0] =	wrdreg $0xFFFFFFFF;
	(pc) =	sbr.abs _section_cstart, $3  }
0xc0: {  	[dreg:$0x1] =	wrdreg $0xFFFFFFFF  }
0xc1: {  	_ =	task.clear_ibuf [dreg:s6], $0x2FFFF;
	_ =	strace $0x9FFFFFFF  }
0xc2: {  	(tm) =	ssettm $0x7FFFFFFF  }
0xc3: {  	_ =	shalt  }
tec
execute0_lowered:
.L_overlay_start_1:
0x0: {  	(tag) =	ssettag $0x1  }
0x1: {  	s3 =	stileid.u32  }
0x2: {  	p0 =	sne.s32 s3, $0x0  }
.Ltmp0:
0x3: {  	_ = 	snop;
	(pc) =	sbr.rel @p0 .LBB2_2-.Ltmp0, $4  }
0x4: {  	s4 =	rddreg [dreg:$0x0]  }
0x5: {  	s2 =	rddreg [dreg:$0x1]  }
0x6: {  	s1 =	rddreg [dreg:$0x2]  }
0x7: {  	s0 =	rddreg [dreg:$0x3];
	_ =	strace $0x80000047  }
0x8: {  	s3 =	simm.s32 $0x0;
	s29 =	simm.s32 $0x2  }
0x9: {  	[tilespmem:s3], [sflag:$0x2] =	stream.linear.gather [hbm4b:s2+s3], $0x20, $0x38;
	[tilespmem:$0x200] =	vst v63  }
0xa: {  	_ =	swait.ge [sflag:s29], $0x20  }
0xb: {  	[sflag:s29] =	ssyncset.done $0x0  }
0xc: {  	[sflag:s29] =	ssyncadd.s32 $0xFFFFFFE0  }
0xd: {  	v0 =	vld [tilespmem:$0x0];
	_ =	sdelay $0x2  }
0xe: {  	v1 =	vld [tilespmem:$0x1]  }
0xf: {  	v2 =	vlaneseq.u32  }
0x10: {  	v2 =	vmul.u32 $0x3, v2;
	v0 =	vmul.u32 $0x3, v0;
	_ =	sdelay $0x1  }
0x11: {  	v4 =	vadd.s32 $0x1, v2;
	v3 =	vadd.s32 v2, v0  }
0x12: {  	v49 =	vadd.s32 $0x2, v2;
	v1 =	vmul.u32 $0x3, v1;
	v48 =	vadd.s32 v4, v0;
	[tilespmem:$0x80] =	vst v3  }
0x13: {  	v5 =	vadd.s32 $0x3, v2;
	v0 =	vadd.s32 v49, v0;
	[tilespmem:$0x90] =	vst v48  }
0x14: {  	v51 =	vadd.s32 $0x4, v2;
	v50 =	vadd.s32 v5, v1;
	[tilespmem:$0xA0] =	vst v0  }
0x15: {  	v2 =	vadd.s32 $0x5, v2;
	[tilespmem:$0xB0] =	vst v50;
	v0 =	vadd.s32 v51, v1  }
0x16: {  	s4 =	sadd.s32 $0x400, s4;
	s5 =	simm.s32 $0x60;
	v52 =	vadd.s32 v2, v1;
	[tilespmem:$0xC0] =	vst v0  }
0x17: {  	s6 =	simm.s32 $0x80;
	s7 =	simm.s32 $0x100;
	s30 =	simm.s32 $0x1;
	[tilespmem:$0xD0] =	vst v52  }
0x18: {  	[tilespmem:s7], [sflag:$0x1] =	stream.indirect.gather [hbm4b:s4+s5], $0x1, s6, s5, $0xb8;
	[tilespmem:$0x200] =	vst v63  }
0x19: {  	_ =	swait.ge [sflag:s30], $0x60  }
0x1a: {  	[sflag:s30] =	ssyncset.done $0x0  }
0x1b: {  	[sflag:s30] =	ssyncadd.s32 $0xFFFFFFA0  }
0x1c: {  	v53 =	vld [tilespmem:$0x100]  }
0x1d: {  	v54 =	vld [tilespmem:$0x130]  }
0x1e: {  	v55 =	vld [tilespmem:$0x110]  }
0x1f: {  	v56 =	vld [tilespmem:$0x140]  }
0x20: {  	v57 =	vld [tilespmem:$0x120]  }
0x21: {  	v58 =	vld [tilespmem:$0x150];
	_ =	sdelay $0x2  }
0x22: {  	v0 =	vsub.f32 v53, v54;
	v59 =	vsub.f32 v55, v56;
	_ =	sdelay $0x1  }
0x23: {  	v60 =	vsub.f32 v57, v58;
	v0 =	vmul.f32 v0, v0;
	v1 =	vmul.f32 v59, v59;
	_ =	sdelay $0x1  }
0x24: {  	v61 =	vmul.f32 v60, v60;
	v0 =	vadd.f32 v1, v0;
	_ =	sdelay $0x1  }
0x25: {  	v0 =	vadd.f32 v61, v0;
	_ =	sdelay $0x1  }
0x26: {  	v1 =	vshra.s32 v0, $0x1;
	v62 =	vmul.f32 $5.000000000e-01, v0  }
0x27: {  	v1 =	vsub.s32 $0x5F3759DF, v1  }
0x28: {  	v63 =	vmul.f32 v1, v62;
	_ =	sdelay $0x1  }
0x29: {  	v3 =	vmul.f32 v1, v63;
	_ =	sdelay $0x1  }
0x2a: {  	v3 =	vsub.f32 $1.500000000e+00, v3;
	_ =	sdelay $0x1  }
0x2b: {  	v1 =	vmul.f32 v1, v3;
	_ =	sdelay $0x1  }
0x2c: {  	v3 =	vmul.f32 v1, v62;
	_ =	sdelay $0x1  }
0x2d: {  	v3 =	vmul.f32 v3, v1;
	_ =	sdelay $0x1  }
0x2e: {  	v3 =	vsub.f32 $1.500000000e+00, v3;
	_ =	sdelay $0x1  }
0x2f: {  	v1 =	vmul.f32 v3, v1;
	_ =	sdelay $0x1  }
0x30: {  	v2 =	vmul.f32 v1, v62;
	_ =	sdelay $0x1  }
0x31: {  	v2 =	vmul.f32 v2, v1;
	_ =	sdelay $0x1  }
0x32: {  	v2 =	vsub.f32 $1.500000000e+00, v2;
	_ =	sdelay $0x1  }
0x33: {  	v1 =	vmul.f32 v2, v1;
	_ =	sdelay $0x1  }
0x34: {  	v0 =	vmul.f32 v1, v0;
	_ =	sdelay $0x1  }
0x35: {  	v0 =	vadd.f32 $-4.000000000e+00, v0;
	_ =	sdelay $0x1  }
0x36: {  	v0 =	vmul.f32 v0, v0  }
0x37: {  	vm0 =	vmmov $0x7  }
0x38: {  	v0 =	vnsel vm0, $0x0, v0  }
0x39: {  	(xrf2) =	vadd.scan.msk.f32 $0xffff, v0;
	_ =	sdelay $0x9  }
0x3a: {  	v0, _, _ =	vpop (xrf2)  }
0x3b: {  	v0 =	vbroadcast v0, $0xF;
	_ =	sdelay $0x1  }
0x3c: {  	s31 =	simm.s32 $0x180;
	[tilespmem:$0x180] =	vst v0  }
0x3d: {  	[hbm4b:s1+s3] =	stream.linear.scatter [tilespmem:s31], [sflag:$0x2], $0x80, $0x38;
	[tilespmem:$0x200] =	vst v63  }
0x3e: {  	_ =	swait.ge [sflag:s29], $0x80  }
0x3f: {  	[sflag:s29] =	ssyncset.done $0x0  }
0x40: {  	[sflag:s29] =	ssyncadd.s32 $0xFFFFFF80  }
.LBB2_2:
0x41: {  	_ =	sfence.sel $0x180000  }
0x42: {  	[bflag:$0x0] =	sbarrier.arrive $0xFFFF  }
0x43: {  	_ =	strace $0x90000047  }
0x44: {  	s0 =	sadd.s32 @!p0 $0x100000, s0;
	[bflag:$0x2] =	sbarrier.arrive $0xFFFF  }
0x45: {  	[sflag:s0] =	ssyncadd.tile.s32 @!p0 $0x1;
	_ =	shalt  }
.Lfunc_end2:
_tile_overlayer_lowered:
.L_overlay_start_2:
0x46: {  	(tag) =	ssettag $0x2  }
0x47: {  	s0 =	rddreg [dreg:$0x0];
	s2 =	stileid.u32  }
0x48: {  	s1 =	rddreg [dreg:$0x1];
	p0 =	sne.s32 s2, $0x0  }
0x49: {  	s3 =	rddreg [dreg:$0x2];
	[bflag:$0x3] =	sbarrier.arrive $0xFFFF;
	s2 =	simm.s32 @!p0 $0x1C02  }
0x4a: {  	[timem:s3], [sflag:s2] =	dma.local @!p0 [hbm:s0], s1  }
0x4b: {  	s0 =	simm.s32 @!p0 $0x2  }
0x4c: {  	_ =	swait.ge @!p0 [sflag:s0], s1  }
0x4d: {  	s1 =	ssub.s32 @!p0 $0x0, s1;
	[sflag:s0] =	ssyncset.done @!p0 $0x0  }
0x4e: {  	[sflag:s0] =	ssyncadd.s32 @!p0 s1  }
0x4f: {  	[bflag:$0x3] =	sbarrier.arrive $0xFFFF  }
0x50: {  	_ =	shalt  }

</sc_bundles>
